<compile_context>
chip_gen: v7x
topology: tpu7x:2x2x1
jax: 0.10.2.dev20260603
libtpu: 0.0.44.dev20260713+nightly
codegen_flags: <defaults>
</compile_context>

<pallas_src>
import functools
import jax
import jax.numpy as jnp
from jax import lax
from jax.experimental import pallas as pl
from jax.experimental.pallas import tpu as pltpu
from jax.experimental.pallas import tpu_sc as plsc

CB_SIZE = 1024
CB_DIM = 256
NTOK = 4608
NW = 32
TPW = NTOK // NW
GCH = TPW // 2


def _dist_kernel(x_ref, cb_ref, idx_ref):
    xb = x_ref[...]
    cb = cb_ref[...]
    mm = jax.lax.dot_general(xb, cb, (((1,), (1,)), ((), ())),
                             preferred_element_type=jnp.float32)
    xnorm = jnp.sum(xb * xb, axis=1, keepdims=True)
    cnorm = jnp.sum(cb * cb, axis=1, keepdims=True).T
    t = xnorm - 2.0 * mm + cnorm
    tb = xb.shape[0]
    m = jnp.min(t, axis=1, keepdims=True)
    iota = jax.lax.broadcasted_iota(jnp.int32, (tb, CB_SIZE), 1)
    idx = jnp.min(jnp.where(t == m, iota, CB_SIZE), axis=1)
    idx_ref[...] = idx.reshape(1, 1, tb)


def _loss_kernel(x_ref, q_ref, idx_ref, loss_ref, perp_ref, counts_ref):
    i = pl.program_id(0)
    n = pl.num_programs(0)
    xb = x_ref[...]
    quant = q_ref[...]
    d = quant - xb
    loss_ref[...] = d * d
    tb = xb.shape[0]
    idx = idx_ref[...].reshape(tb)
    iota = jax.lax.broadcasted_iota(jnp.int32, (tb, CB_SIZE), 1)
    onehot = (iota == idx[:, None]).astype(jnp.float32)
    ones_row = jnp.ones((1, tb), jnp.float32)
    part = jax.lax.dot_general(ones_row, onehot, (((1,), (0,)), ((), ())),
                               preferred_element_type=jnp.float32)

    @pl.when(i == 0)
    def _init():
        counts_ref[...] = part

    @pl.when(i > 0)
    def _acc():
        counts_ref[...] = counts_ref[...] + part

    @pl.when(i == n - 1)
    def _fin():
        prob = counts_ref[...] / jnp.float32(NTOK)
        ent = jnp.sum(prob * jnp.log(prob + 1e-10))
        perp_ref[...] = jnp.exp(-ent).reshape(1, 1)


def _make_sc_gather():
    mesh = plsc.VectorSubcoreMesh(core_axis_name="c", subcore_axis_name="s")

    @functools.partial(
        pl.kernel, mesh=mesh,
        out_type=jax.ShapeDtypeStruct((NTOK, CB_DIM), jnp.float32),
        scratch_types=[
            pltpu.VMEM((TPW,), jnp.int32),
            pltpu.VMEM((GCH, CB_DIM), jnp.float32),
            pltpu.VMEM((GCH, CB_DIM), jnp.float32),
            pltpu.SemaphoreType.DMA,
            pltpu.SemaphoreType.DMA,
        ],
    )
    def sc_gather(idx_hbm, cb_hbm, q_hbm, idx_v, rows0_v, rows1_v, sem0, sem1):
        c = lax.axis_index("c")
        s = lax.axis_index("s")
        wid = s * 2 + c
        base = wid * TPW
        pltpu.sync_copy(idx_hbm.at[pl.ds(base, TPW)], idx_v)
        cp0 = pltpu.async_copy(cb_hbm.at[idx_v.at[pl.ds(0, GCH)]], rows0_v, sem0)
        cp1 = pltpu.async_copy(cb_hbm.at[idx_v.at[pl.ds(GCH, GCH)]], rows1_v, sem1)
        cp0.wait()
        pltpu.sync_copy(rows0_v, q_hbm.at[pl.ds(base, GCH)])
        cp1.wait()
        pltpu.sync_copy(rows1_v, q_hbm.at[pl.ds(base + GCH, GCH)])

    return sc_gather


_sc_gather = _make_sc_gather()


def kernel(x, codebook):
    shape = x.shape
    flat = x.reshape(-1, shape[-1])
    ntok = flat.shape[0]
    nb = 4
    tb = ntok // nb

    idx3 = pl.pallas_call(
        _dist_kernel,
        grid=(nb,),
        in_specs=[
            pl.BlockSpec((tb, CB_DIM), lambda i: (i, 0)),
            pl.BlockSpec((CB_SIZE, CB_DIM), lambda i: (0, 0)),
        ],
        out_specs=pl.BlockSpec((1, 1, tb), lambda i: (i, 0, 0)),
        out_shape=jax.ShapeDtypeStruct((nb, 1, tb), jnp.int32),
    )(flat, codebook)

    idx_flat = idx3.reshape(ntok)
    quant = _sc_gather(idx_flat, codebook)

    loss, perp = pl.pallas_call(
        _loss_kernel,
        grid=(nb,),
        in_specs=[
            pl.BlockSpec((tb, CB_DIM), lambda i: (i, 0)),
            pl.BlockSpec((tb, CB_DIM), lambda i: (i, 0)),
            pl.BlockSpec((1, 1, tb), lambda i: (i, 0, 0)),
        ],
        out_specs=[
            pl.BlockSpec((tb, CB_DIM), lambda i: (i, 0)),
            pl.BlockSpec((1, 1), lambda i: (0, 0)),
        ],
        out_shape=[
            jax.ShapeDtypeStruct((ntok, CB_DIM), jnp.float32),
            jax.ShapeDtypeStruct((1, 1), jnp.float32),
        ],
        scratch_shapes=[pltpu.VMEM((1, CB_SIZE), jnp.float32)],
    )(flat, quant, idx3)

    return (quant.reshape(shape), loss.reshape(shape), perp[0, 0])

# --- scband reference (transcript-rebuilt; emitter-appended) ---
"""Pipeline reference for scband-kmeans-5592047419506 (READ-ONLY COPY).

The authoritative reference and input builder live on the scoring server;
editing this copy changes nothing except your own understanding.
"""

import jax, jax.numpy as jnp
import numpy as np

CODEBOOK_SIZE = 1024
CODEBOOK_DIM = 256


def setup_inputs(seed: int = 0) -> dict:
    key = jax.random.key(seed)
    k1, k2 = jax.random.split(key)
    x = jax.random.normal(k1, (8, 576, CODEBOOK_DIM), dtype=jnp.float32)
    codebook = jax.random.normal(k2, (CODEBOOK_SIZE, CODEBOOK_DIM), dtype=jnp.float32) * 0.02
    return {"x": x, "codebook": codebook}


def reference(x, codebook):
    shape = x.shape
    flatten = x.reshape(-1, shape[-1])
    embed = codebook.T
    dist = -(jnp.sum(flatten ** 2, axis=1, keepdims=True)
             - 2.0 * (flatten @ embed)
             + jnp.sum(embed ** 2, axis=0, keepdims=True))
    embed_ind_flat = jnp.argmax(dist, axis=-1)
    embed_ind = embed_ind_flat.reshape(shape[:-1])
    quantize = jnp.take(codebook, embed_ind, axis=0)
    prob = jnp.bincount(embed_ind_flat, length=CODEBOOK_SIZE).astype(jnp.float32) / embed_ind_flat.shape[0]
    perp = jnp.exp(-jnp.sum(prob * jnp.log(prob + 1e-10)))
    codebook_loss = (quantize - jax.lax.stop_gradient(x)) ** 2
    return (quantize, codebook_loss, perp)

if __name__ == "__main__":
    import jax
    _d = setup_inputs()
    print(jax.jit(kernel)(*tuple(_d.values())))

</pallas_src>

<mosaic_0001>
#map = affine_map<(d0, d1) -> (0)>
#map1 = affine_map<(d0, d1) -> (0, 0)>
module attributes {stable_mosaic.version = 14 : i64} {
  func.func @sc_gather(%arg0: i32, %arg1: i32, %arg2: memref<4608xi32, #tpu.memory_space<hbm>>, %arg3: memref<1024x256xf32, #tpu.memory_space<hbm>>, %arg4: memref<4608x256xf32, #tpu.memory_space<hbm>>, %arg5: memref<144xi32, #tpu.memory_space<vmem>>, %arg6: memref<72x256xf32, #tpu.memory_space<vmem>>, %arg7: memref<72x256xf32, #tpu.memory_space<vmem>>, %arg8: memref<!tpu.dma_semaphore, #tpu.memory_space<semaphore_mem>>, %arg9: memref<!tpu.dma_semaphore, #tpu.memory_space<semaphore_mem>>) attributes {dimension_semantics = [#tpu.dimension_semantics<core_parallel>, #tpu.dimension_semantics<subcore_parallel>], iteration_bounds = array<i64: 2, 16>, scalar_prefetch = 0 : i64, scratch_operands = 5 : i64, tpu.core_type = #tpu.core_type<sc_vector_subcore>, window_params = [{transform_indices = #map}, {transform_indices = #map1}, {transform_indices = #map1}]} {
    %mul3A = arith.constant 2 : i32
    %mul3A_0 = arith.muli %arg1, %mul3A : i32
    %add3A = arith.addi %mul3A_0, %arg0 : i32
    %mul3A_1 = arith.constant 144 : i32
    %mul3A_2 = arith.muli %add3A, %mul3A_1 : i32
    "tpu.region"() ({
      %run_scoped3A = tpu.sem_alloc : memref<!tpu.dma_semaphore, #tpu.memory_space<semaphore_mem>>
      %dma_start3A_23 = tpu.memref_slice %arg2[%mul3A_2] : memref<4608xi32, #tpu.memory_space<hbm>> -> memref<144xi32, #tpu.memory_space<hbm>>
      %dma_start3A_24 = tpu.memref_slice %arg2[%mul3A_2] : memref<4608xi32, #tpu.memory_space<hbm>> -> memref<144xi32, #tpu.memory_space<hbm>>
      tpu.enqueue_dma source(%dma_start3A_24 : memref<144xi32, #tpu.memory_space<hbm>>) target(%arg5 : memref<144xi32, #tpu.memory_space<vmem>>) target_semaphore(%run_scoped3A : memref<!tpu.dma_semaphore, #tpu.memory_space<semaphore_mem>>)
      %dma_wait3A_25 = tpu.memref_slice %arg2[%mul3A_2] : memref<4608xi32, #tpu.memory_space<hbm>> -> memref<144xi32, #tpu.memory_space<hbm>>
      %dma_wait3A_26 = tpu.memref_slice %arg2[%mul3A_2] : memref<4608xi32, #tpu.memory_space<hbm>> -> memref<144xi32, #tpu.memory_space<hbm>>
      tpu.wait_dma2 semaphore(%run_scoped3A : memref<!tpu.dma_semaphore, #tpu.memory_space<semaphore_mem>>) src(%dma_wait3A_26 : memref<144xi32, #tpu.memory_space<hbm>>) dst(%arg5 : memref<144xi32, #tpu.memory_space<vmem>>)
      tpu.yield
    }) : () -> ()
    %dma_start3A = arith.constant 0 : i32
    %dma_start3A_3 = tpu.memref_slice %arg5[%dma_start3A] : memref<144xi32, #tpu.memory_space<vmem>> -> memref<72xi32, #tpu.memory_space<vmem>>
    %dma_start3A_4 = arith.constant 0 : i32
    %dma_start3A_5 = arith.constant 0 : i32
    %dma_start3A_6 = tpu.memref_slice %arg3[%dma_start3A_4, %dma_start3A_5] : memref<1024x256xf32, #tpu.memory_space<hbm>> -> memref<1024x256xf32, #tpu.memory_space<hbm>>
    tpu.enqueue_indirect_dma source(%dma_start3A_6 : memref<1024x256xf32, #tpu.memory_space<hbm>>) target(%arg6 : memref<72x256xf32, #tpu.memory_space<vmem>>) offsets(%dma_start3A_3 : memref<72xi32, #tpu.memory_space<vmem>>) semaphore(%arg8 : memref<!tpu.dma_semaphore, #tpu.memory_space<semaphore_mem>>)
    %dma_start3A_7 = arith.constant 72 : i32
    %dma_start3A_8 = tpu.memref_slice %arg5[%dma_start3A_7] : memref<144xi32, #tpu.memory_space<vmem>> -> memref<72xi32, #tpu.memory_space<vmem>>
    %dma_start3A_9 = arith.constant 0 : i32
    %dma_start3A_10 = arith.constant 0 : i32
    %dma_start3A_11 = tpu.memref_slice %arg3[%dma_start3A_9, %dma_start3A_10] : memref<1024x256xf32, #tpu.memory_space<hbm>> -> memref<1024x256xf32, #tpu.memory_space<hbm>>
    tpu.enqueue_indirect_dma source(%dma_start3A_11 : memref<1024x256xf32, #tpu.memory_space<hbm>>) target(%arg7 : memref<72x256xf32, #tpu.memory_space<vmem>>) offsets(%dma_start3A_8 : memref<72xi32, #tpu.memory_space<vmem>>) semaphore(%arg9 : memref<!tpu.dma_semaphore, #tpu.memory_space<semaphore_mem>>)
    %dma_wait3A = arith.constant 0 : i32
    %dma_wait3A_12 = tpu.memref_slice %arg5[%dma_wait3A] : memref<144xi32, #tpu.memory_space<vmem>> -> memref<72xi32, #tpu.memory_space<vmem>>
    %dma_wait3A_13 = arith.constant 0 : i32
    %dma_wait3A_14 = arith.constant 0 : i32
    %dma_wait3A_15 = tpu.memref_slice %arg3[%dma_wait3A_13, %dma_wait3A_14] : memref<1024x256xf32, #tpu.memory_space<hbm>> -> memref<1024x256xf32, #tpu.memory_space<hbm>>
    tpu.wait_indirect_dma semaphore(%arg8 : memref<!tpu.dma_semaphore, #tpu.memory_space<semaphore_mem>>) src(%dma_wait3A_15 : memref<1024x256xf32, #tpu.memory_space<hbm>>) dst(%arg6 : memref<72x256xf32, #tpu.memory_space<vmem>>)
    "tpu.region"() ({
      %run_scoped3A = tpu.sem_alloc : memref<!tpu.dma_semaphore, #tpu.memory_space<semaphore_mem>>
      %dma_start3A_23 = arith.constant 0 : i32
      %dma_start3A_24 = tpu.memref_slice %arg4[%mul3A_2, %dma_start3A_23] : memref<4608x256xf32, #tpu.memory_space<hbm>> -> memref<72x256xf32, #tpu.memory_space<hbm>>
      %dma_start3A_25 = arith.constant 0 : i32
      %dma_start3A_26 = tpu.memref_slice %arg4[%mul3A_2, %dma_start3A_25] : memref<4608x256xf32, #tpu.memory_space<hbm>> -> memref<72x256xf32, #tpu.memory_space<hbm>>
      tpu.enqueue_dma source(%arg6 : memref<72x256xf32, #tpu.memory_space<vmem>>) target(%dma_start3A_26 : memref<72x256xf32, #tpu.memory_space<hbm>>) target_semaphore(%run_scoped3A : memref<!tpu.dma_semaphore, #tpu.memory_space<semaphore_mem>>)
      %dma_wait3A_27 = arith.constant 0 : i32
      %dma_wait3A_28 = tpu.memref_slice %arg4[%mul3A_2, %dma_wait3A_27] : memref<4608x256xf32, #tpu.memory_space<hbm>> -> memref<72x256xf32, #tpu.memory_space<hbm>>
      %dma_wait3A_29 = arith.constant 0 : i32
      %dma_wait3A_30 = tpu.memref_slice %arg4[%mul3A_2, %dma_wait3A_29] : memref<4608x256xf32, #tpu.memory_space<hbm>> -> memref<72x256xf32, #tpu.memory_space<hbm>>
      tpu.wait_dma2 semaphore(%run_scoped3A : memref<!tpu.dma_semaphore, #tpu.memory_space<semaphore_mem>>) src(%arg6 : memref<72x256xf32, #tpu.memory_space<vmem>>) dst(%dma_wait3A_30 : memref<72x256xf32, #tpu.memory_space<hbm>>)
      tpu.yield
    }) : () -> ()
    %dma_wait3A_16 = arith.constant 72 : i32
    %dma_wait3A_17 = tpu.memref_slice %arg5[%dma_wait3A_16] : memref<144xi32, #tpu.memory_space<vmem>> -> memref<72xi32, #tpu.memory_space<vmem>>
    %dma_wait3A_18 = arith.constant 0 : i32
    %dma_wait3A_19 = arith.constant 0 : i32
    %dma_wait3A_20 = tpu.memref_slice %arg3[%dma_wait3A_18, %dma_wait3A_19] : memref<1024x256xf32, #tpu.memory_space<hbm>> -> memref<1024x256xf32, #tpu.memory_space<hbm>>
    tpu.wait_indirect_dma semaphore(%arg9 : memref<!tpu.dma_semaphore, #tpu.memory_space<semaphore_mem>>) src(%dma_wait3A_20 : memref<1024x256xf32, #tpu.memory_space<hbm>>) dst(%arg7 : memref<72x256xf32, #tpu.memory_space<vmem>>)
    %add3A_21 = arith.constant 72 : i32
    %add3A_22 = arith.addi %mul3A_2, %add3A_21 : i32
    "tpu.region"() ({
      %run_scoped3A = tpu.sem_alloc : memref<!tpu.dma_semaphore, #tpu.memory_space<semaphore_mem>>
      %dma_start3A_23 = arith.constant 0 : i32
      %dma_start3A_24 = tpu.memref_slice %arg4[%add3A_22, %dma_start3A_23] : memref<4608x256xf32, #tpu.memory_space<hbm>> -> memref<72x256xf32, #tpu.memory_space<hbm>>
      %dma_start3A_25 = arith.constant 0 : i32
      %dma_start3A_26 = tpu.memref_slice %arg4[%add3A_22, %dma_start3A_25] : memref<4608x256xf32, #tpu.memory_space<hbm>> -> memref<72x256xf32, #tpu.memory_space<hbm>>
      tpu.enqueue_dma source(%arg7 : memref<72x256xf32, #tpu.memory_space<vmem>>) target(%dma_start3A_26 : memref<72x256xf32, #tpu.memory_space<hbm>>) target_semaphore(%run_scoped3A : memref<!tpu.dma_semaphore, #tpu.memory_space<semaphore_mem>>)
      %dma_wait3A_27 = arith.constant 0 : i32
      %dma_wait3A_28 = tpu.memref_slice %arg4[%add3A_22, %dma_wait3A_27] : memref<4608x256xf32, #tpu.memory_space<hbm>> -> memref<72x256xf32, #tpu.memory_space<hbm>>
      %dma_wait3A_29 = arith.constant 0 : i32
      %dma_wait3A_30 = tpu.memref_slice %arg4[%add3A_22, %dma_wait3A_29] : memref<4608x256xf32, #tpu.memory_space<hbm>> -> memref<72x256xf32, #tpu.memory_space<hbm>>
      tpu.wait_dma2 semaphore(%run_scoped3A : memref<!tpu.dma_semaphore, #tpu.memory_space<semaphore_mem>>) src(%arg7 : memref<72x256xf32, #tpu.memory_space<vmem>>) dst(%dma_wait3A_30 : memref<72x256xf32, #tpu.memory_space<hbm>>)
      tpu.yield
    }) : () -> ()
    return
  }
}

module attributes {stable_mosaic.version = 14 : i64} {
  func.func @_dist_kernel(%arg0: i32, %arg1: memref<1152x256xf32, #tpu.memory_space<vmem>>, %arg2: memref<1024x256xf32, #tpu.memory_space<vmem>>, %arg3: memref<1x1x1152xi32, #tpu.memory_space<vmem>>) attributes {dimension_semantics = [#tpu.dimension_semantics<arbitrary>], iteration_bounds = array<i64: 4>, scalar_prefetch = 0 : i64, scratch_operands = 0 : i64, tpu.core_type = #tpu.core_type<tc>, window_params = [{transform_indices = @transform_0, window_bounds = array<i64: 1152, 256>}, {pipeline_mode = #tpu.pipeline_mode<synchronous>, transform_indices = @transform_1, window_bounds = array<i64: 1024, 256>}, {transform_indices = @transform_2, window_bounds = array<i64: 1, 1, 1152>}]} {
    %get3A = arith.constant 0 : index
    %get3A_0 = arith.constant 0 : index
    %get3A_1 = vector.load %arg1[%get3A, %get3A_0] : memref<1152x256xf32, #tpu.memory_space<vmem>>, vector<1152x256xf32>
    %get3A_2 = arith.constant 0 : index
    %get3A_3 = arith.constant 0 : index
    %get3A_4 = vector.load %arg2[%get3A_2, %get3A_3] : memref<1024x256xf32, #tpu.memory_space<vmem>>, vector<1024x256xf32>
    %dot_general3A = arith.constant dense<0.000000e+00> : vector<1152x1024xf32>
    %dot_general3A_5 = tpu.matmul %get3A_1, %get3A_4, %dot_general3A {dimension_numbers = #tpu.dot_dimension_numbers<[1], [1], [0], [0], [0, 0, 1, 0], [], []>, transpose_lhs_hint = false} : vector<1152x256xf32>, vector<1024x256xf32>, vector<1152x1024xf32> -> vector<1152x1024xf32>
    %mul3A = arith.mulf %get3A_1, %get3A_1 : vector<1152x256xf32>
    %reduce_sum3A = arith.constant dense<0.000000e+00> : vector<1152xf32>
    %reduce_sum3A_6 = vector.multi_reduction <add>, %mul3A, %reduce_sum3A [1] : vector<1152x256xf32> to vector<1152xf32>
    %broadcast_in_dim3A = vector.shape_cast %reduce_sum3A_6 : vector<1152xf32> to vector<1152x1xf32>
    %mul3A_7 = arith.mulf %get3A_4, %get3A_4 : vector<1024x256xf32>
    %reduce_sum3A_8 = arith.constant dense<0.000000e+00> : vector<1024xf32>
    %reduce_sum3A_9 = vector.multi_reduction <add>, %mul3A_7, %reduce_sum3A_8 [1] : vector<1024x256xf32> to vector<1024xf32>
    %broadcast_in_dim3A_10 = vector.shape_cast %reduce_sum3A_9 : vector<1024xf32> to vector<1024x1xf32>
    %transpose3A = tpu.transpose %broadcast_in_dim3A_10, [1, 0] : vector<1024x1xf32> -> vector<1x1024xf32>
    %mul3A_11 = arith.constant 2.000000e+00 : f32
    %mul3A_12 = vector.broadcast %mul3A_11 : f32 to vector<1152x1024xf32>
    %mul3A_13 = arith.mulf %mul3A_12, %dot_general3A_5 : vector<1152x1024xf32>
    %sub3A = vector.broadcast %broadcast_in_dim3A : vector<1152x1xf32> to vector<1152x1024xf32>
    %sub3A_14 = arith.subf %sub3A, %mul3A_13 : vector<1152x1024xf32>
    %add3A = vector.broadcast %transpose3A : vector<1x1024xf32> to vector<1152x1024xf32>
    %add3A_15 = arith.addf %sub3A_14, %add3A : vector<1152x1024xf32>
    %reduce_min3A = arith.constant dense<0x7F800000> : vector<1152xf32>
    %reduce_min3A_16 = vector.multi_reduction <minimumf>, %add3A_15, %reduce_min3A [1] : vector<1152x1024xf32> to vector<1152xf32>
    %broadcast_in_dim3A_17 = vector.shape_cast %reduce_min3A_16 : vector<1152xf32> to vector<1152x1xf32>
    %iota3A = tpu.iota {dimensions = array<i32: 1>} : vector<1152x1024xi32>
    %eq3A = vector.broadcast %broadcast_in_dim3A_17 : vector<1152x1xf32> to vector<1152x1024xf32>
    %eq3A_18 = arith.cmpf oeq, %add3A_15, %eq3A : vector<1152x1024xf32>
    %jit3A = arith.constant 1024 : i32
    %broadcast_in_dim3A_19 = vector.broadcast %jit3A : i32 to vector<1152x1024xi32>
    %select_n3A = arith.select %eq3A_18, %iota3A, %broadcast_in_dim3A_19 : vector<1152x1024xi1>, vector<1152x1024xi32>
    %reduce_min3A_20 = arith.constant dense<2147483647> : vector<1152xi32>
    %reduce_min3A_21 = vector.multi_reduction <minsi>, %select_n3A, %reduce_min3A_20 [1] : vector<1152x1024xi32> to vector<1152xi32>
    %reshape3A = vector.shape_cast %reduce_min3A_21 : vector<1152xi32> to vector<1x1x1152xi32>
    %swap3A = arith.constant 0 : index
    %swap3A_22 = arith.constant 0 : index
    %swap3A_23 = arith.constant 0 : index
    %swap3A_24 = vector.load %arg3[%swap3A, %swap3A_22, %swap3A_23] : memref<1x1x1152xi32, #tpu.memory_space<vmem>>, vector<1x1x1152xi32>
    tpu.vector_store %arg3[%swap3A, %swap3A_22, %swap3A_23], %reshape3A {strides = array<i32>} : memref<1x1x1152xi32, #tpu.memory_space<vmem>>, vector<1x1x1152xi32>,
    return
  }
  func.func @transform_0(%arg0: i32) -> (i32, i32) {
    %c0_i32 = arith.constant 0 : i32
    %c0_i32_0 = arith.constant 0 : i32
    return %arg0, %c0_i32 : i32, i32
  }
  func.func @transform_1(%arg0: i32) -> (i32, i32) {
    %c0_i32 = arith.constant 0 : i32
    %c0_i32_0 = arith.constant 0 : i32
    %c0_i32_1 = arith.constant 0 : i32
    return %c0_i32, %c0_i32_0 : i32, i32
  }
  func.func @transform_2(%arg0: i32) -> (i32, i32, i32) {
    %c0_i32 = arith.constant 0 : i32
    %c0_i32_0 = arith.constant 0 : i32
    %c0_i32_1 = arith.constant 0 : i32
    return %arg0, %c0_i32, %c0_i32_0 : i32, i32, i32
  }
}

module attributes {stable_mosaic.version = 14 : i64} {
  func.func @_loss_kernel(%arg0: i32, %arg1: memref<1152x256xf32, #tpu.memory_space<vmem>>, %arg2: memref<1152x256xf32, #tpu.memory_space<vmem>>, %arg3: memref<1x1x1152xi32, #tpu.memory_space<vmem>>, %arg4: memref<1152x256xf32, #tpu.memory_space<vmem>>, %arg5: memref<1x1xf32, #tpu.memory_space<vmem>>, %arg6: memref<1x1024xf32, #tpu.memory_space<vmem>>) attributes {dimension_semantics = [#tpu.dimension_semantics<arbitrary>], iteration_bounds = array<i64: 4>, scalar_prefetch = 0 : i64, scratch_operands = 1 : i64, tpu.core_type = #tpu.core_type<tc>, window_params = [{transform_indices = @transform_0, window_bounds = array<i64: 1152, 256>}, {transform_indices = @transform_1, window_bounds = array<i64: 1152, 256>}, {transform_indices = @transform_2, window_bounds = array<i64: 1, 1, 1152>}, {transform_indices = @transform_3, window_bounds = array<i64: 1152, 256>}, {pipeline_mode = #tpu.pipeline_mode<synchronous>, transform_indices = @transform_4, window_bounds = array<i64: 1, 1>}]} {
    %get3A = arith.constant 0 : index
    %get3A_0 = arith.constant 0 : index
    %get3A_1 = vector.load %arg1[%get3A, %get3A_0] : memref<1152x256xf32, #tpu.memory_space<vmem>>, vector<1152x256xf32>
    %get3A_2 = arith.constant 0 : index
    %get3A_3 = arith.constant 0 : index
    %get3A_4 = vector.load %arg2[%get3A_2, %get3A_3] : memref<1152x256xf32, #tpu.memory_space<vmem>>, vector<1152x256xf32>
    %sub3A = arith.subf %get3A_4, %get3A_1 : vector<1152x256xf32>
    %mul3A = arith.mulf %sub3A, %sub3A : vector<1152x256xf32>
    %swap3A = arith.constant 0 : index
    %swap3A_5 = arith.constant 0 : index
    %swap3A_6 = vector.load %arg4[%swap3A, %swap3A_5] : memref<1152x256xf32, #tpu.memory_space<vmem>>, vector<1152x256xf32>
    tpu.vector_store %arg4[%swap3A, %swap3A_5], %mul3A {strides = array<i32>} : memref<1152x256xf32, #tpu.memory_space<vmem>>, vector<1152x256xf32>,
    %get3A_7 = arith.constant 0 : index
    %get3A_8 = arith.constant 0 : index
    %get3A_9 = arith.constant 0 : index
    %get3A_10 = vector.load %arg3[%get3A_7, %get3A_8, %get3A_9] : memref<1x1x1152xi32, #tpu.memory_space<vmem>>, vector<1x1x1152xi32>
    %reshape3A = vector.shape_cast %get3A_10 : vector<1x1x1152xi32> to vector<1152xi32>
    %iota3A = tpu.iota {dimensions = array<i32: 1>} : vector<1152x1024xi32>
    %broadcast_in_dim3A = vector.shape_cast %reshape3A : vector<1152xi32> to vector<1152x1xi32>
    %eq3A = vector.broadcast %broadcast_in_dim3A : vector<1152x1xi32> to vector<1152x1024xi32>
    %eq3A_11 = arith.cmpi eq, %iota3A, %eq3A : vector<1152x1024xi32>
    %convert_element_type3A = arith.extui %eq3A_11 : vector<1152x1024xi1> to vector<1152x1024xi32>
    %convert_element_type3A_12 = arith.sitofp %convert_element_type3A : vector<1152x1024xi32> to vector<1152x1024xf32>
    %broadcast_in_dim3A_13 = arith.constant 1.000000e+00 : f32
    %broadcast_in_dim3A_14 = vector.broadcast %broadcast_in_dim3A_13 : f32 to vector<1x1152xf32>
    %dot_general3A = arith.constant dense<0.000000e+00> : vector<1x1024xf32>
    %dot_general3A_15 = tpu.matmul %broadcast_in_dim3A_14, %convert_element_type3A_12, %dot_general3A {dimension_numbers = #tpu.dot_dimension_numbers<[1], [0], [0], [1], [0, 0, 1, 1], [], []>, transpose_lhs_hint = false} : vector<1x1152xf32>, vector<1152x1024xf32>, vector<1x1024xf32> -> vector<1x1024xf32>
    %eq3A_16 = arith.constant 0 : i32
    %eq3A_17 = arith.cmpi eq, %arg0, %eq3A_16 : i32
    %convert_element_type3A_18 = arith.extui %eq3A_17 : i1 to i32
    %cond3A = arith.constant 0 : i32
    %cond3A_19 = arith.cmpi ne, %convert_element_type3A_18, %cond3A : i32
    scf.if %cond3A_19 {
      %swap3A_29 = arith.constant 0 : index
      %swap3A_30 = arith.constant 0 : index
      %swap3A_31 = vector.load %arg6[%swap3A_29, %swap3A_30] : memref<1x1024xf32, #tpu.memory_space<vmem>>, vector<1x1024xf32>
      tpu.vector_store %arg6[%swap3A_29, %swap3A_30], %dot_general3A_15 {strides = array<i32>} : memref<1x1024xf32, #tpu.memory_space<vmem>>, vector<1x1024xf32>,
    } else {
    }
    %gt3A = arith.constant 0 : i32
    %gt3A_20 = arith.cmpi sgt, %arg0, %gt3A : i32
    %convert_element_type3A_21 = arith.extui %gt3A_20 : i1 to i32
    %cond3A_22 = arith.constant 0 : i32
    %cond3A_23 = arith.cmpi ne, %convert_element_type3A_21, %cond3A_22 : i32
    scf.if %cond3A_23 {
      %get3A_29 = arith.constant 0 : index
      %get3A_30 = arith.constant 0 : index
      %get3A_31 = vector.load %arg6[%get3A_29, %get3A_30] : memref<1x1024xf32, #tpu.memory_space<vmem>>, vector<1x1024xf32>
      %add3A = arith.addf %get3A_31, %dot_general3A_15 : vector<1x1024xf32>
      %swap3A_32 = arith.constant 0 : index
      %swap3A_33 = arith.constant 0 : index
      %swap3A_34 = vector.load %arg6[%swap3A_32, %swap3A_33] : memref<1x1024xf32, #tpu.memory_space<vmem>>, vector<1x1024xf32>
      tpu.vector_store %arg6[%swap3A_32, %swap3A_33], %add3A {strides = array<i32>} : memref<1x1024xf32, #tpu.memory_space<vmem>>, vector<1x1024xf32>,
    } else {
    }
    %eq3A_24 = arith.constant 3 : i32
    %eq3A_25 = arith.cmpi eq, %arg0, %eq3A_24 : i32
    %convert_element_type3A_26 = arith.extui %eq3A_25 : i1 to i32
    %cond3A_27 = arith.constant 0 : i32
    %cond3A_28 = arith.cmpi ne, %convert_element_type3A_26, %cond3A_27 : i32
    scf.if %cond3A_28 {
      %get3A_29 = arith.constant 0 : index
      %get3A_30 = arith.constant 0 : index
      %get3A_31 = vector.load %arg6[%get3A_29, %get3A_30] : memref<1x1024xf32, #tpu.memory_space<vmem>>, vector<1x1024xf32>
      %div3A = arith.constant 4.608000e+03 : f32
      %div3A_32 = vector.broadcast %div3A : f32 to vector<1x1024xf32>
      %div3A_33 = arith.divf %get3A_31, %div3A_32 : vector<1x1024xf32>
      %add3A = arith.constant 1.000000e-10 : f32
      %add3A_34 = vector.broadcast %add3A : f32 to vector<1x1024xf32>
      %add3A_35 = arith.addf %div3A_33, %add3A_34 : vector<1x1024xf32>
      %log3A = math.log %add3A_35 : vector<1x1024xf32>
      %mul3A_36 = arith.mulf %div3A_33, %log3A : vector<1x1024xf32>
      %reduce_sum3A = vector.shape_cast %mul3A_36 : vector<1x1024xf32> to vector<1x1x1024xf32>
      %reduce_sum3A_37 = arith.constant dense<0.000000e+00> : vector<1xf32>
      %reduce_sum3A_38 = vector.multi_reduction <add>, %reduce_sum3A, %reduce_sum3A_37 [1, 2] : vector<1x1x1024xf32> to vector<1xf32>
      %reduce_sum3A_39 = vector.shape_cast %reduce_sum3A_38 : vector<1xf32> to vector<1x1x1xf32>
      %reduce_sum3A_40 = vector.extract %reduce_sum3A_39[0, 0, 0] : f32 from vector<1x1x1xf32>
      %neg3A = arith.constant 0.000000e+00 : f32
      %neg3A_41 = arith.subf %neg3A, %reduce_sum3A_40 : f32
      %exp3A = math.exp %neg3A_41 : f32
      %reshape3A_42 = vector.broadcast %exp3A : f32 to vector<1x1xf32>
      %swap3A_43 = arith.constant 0 : index
      %swap3A_44 = arith.constant 0 : index
      %swap3A_45 = vector.load %arg5[%swap3A_43, %swap3A_44] : memref<1x1xf32, #tpu.memory_space<vmem>>, vector<1x1xf32>
      tpu.vector_store %arg5[%swap3A_43, %swap3A_44], %reshape3A_42 {strides = array<i32>} : memref<1x1xf32, #tpu.memory_space<vmem>>, vector<1x1xf32>,
    } else {
    }
    return
  }
  func.func @transform_0(%arg0: i32) -> (i32, i32) {
    %c0_i32 = arith.constant 0 : i32
    %c0_i32_0 = arith.constant 0 : i32
    return %arg0, %c0_i32 : i32, i32
  }
  func.func @transform_1(%arg0: i32) -> (i32, i32) {
    %c0_i32 = arith.constant 0 : i32
    %c0_i32_0 = arith.constant 0 : i32
    return %arg0, %c0_i32 : i32, i32
  }
  func.func @transform_2(%arg0: i32) -> (i32, i32, i32) {
    %c0_i32 = arith.constant 0 : i32
    %c0_i32_0 = arith.constant 0 : i32
    %c0_i32_1 = arith.constant 0 : i32
    return %arg0, %c0_i32, %c0_i32_0 : i32, i32, i32
  }
  func.func @transform_3(%arg0: i32) -> (i32, i32) {
    %c0_i32 = arith.constant 0 : i32
    %c0_i32_0 = arith.constant 0 : i32
    return %arg0, %c0_i32 : i32, i32
  }
  func.func @transform_4(%arg0: i32) -> (i32, i32) {
    %c0_i32 = arith.constant 0 : i32
    %c0_i32_0 = arith.constant 0 : i32
    %c0_i32_1 = arith.constant 0 : i32
    return %c0_i32, %c0_i32_0 : i32, i32
  }
}

</mosaic_0001>

<sc_bundles>
// kernel: kernel.5.cloned.1.call-start
scs
__scs_entry_jumppad:
0x0: {  	(pc) =	sbr.rel $0x88, $3  }
0x1: {  	(tag) =	ssettag $0x0;
	lr =	simm.s32 $0x1  }
0x2: {  	[smem:$0x3F9F] =	sst lr;
	_ =	strace $0xD0000000  }
0x3: {  	_ = 	snop  }
0x4: {  	_ = 	snop  }
0x5: {  	_ = 	snop  }
0x6: {  	_ = 	snop  }
0x7: {  	_ = 	snop  }
__scs_overlays_trampoline_lowered:
0x8: {  	[smem:$0x3FAE] =	sst s0  }
0x9: {  	[smem:$0x3FAF] =	sst s1  }
0xa: {  	[smem:$0x3FB0] =	sst s2  }
0xb: {  	[smem:$0x3FB1] =	sst s3  }
0xc: {  	[smem:$0x3FB2] =	sst s4  }
0xd: {  	[smem:$0x3FB3] =	sst s5  }
0xe: {  	[smem:$0x3FB4] =	sst s6  }
0xf: {  	[smem:$0x3FB5] =	sst s7  }
0x10: {  	[smem:$0x3FB6] =	sst s8  }
0x11: {  	[smem:$0x3FB7] =	sst s9;
	s0 =	simm.s32 @!p0 $0x0  }
0x12: {  	s1 =	sld [smem:$0x3F9D];
	s0 =	simm.s32 @p0 $0x1  }
0x13: {  	[smem:$0x3FB8] =	sst s0;
	s0 =	simm.s32 @!p1 $0x0  }
0x14: {  	s2 =	sld [smem:$0x3F9C];
	s0 =	simm.s32 @p1 $0x1  }
0x15: {  	[smem:$0x3FB9] =	sst s0;
	s0 =	simm.s32 @!p2 $0x0  }
0x16: {  	s3 =	sld [smem:$0x3FDB];
	s0 =	simm.s32 @p2 $0x1  }
0x17: {  	s4 =	simm.s32 $0x1BF5;
	[smem:$0x3FBB] =	sst s0  }
0x18: {  	s0 =	sld [smem:$0x3F9E];
	_ =	swait.ge [sflag:s4], $0x0  }
0x19: {  	s7 =	sld [smem:$0x3F9F]  }
0x1a: {  	s8 =	sadd.s32 $0xFFFFE003, lr  }
0x1b: {  	s9 =	sadd.s32 $0xFFFFFEF7, lr;
	s5 =	simm.s32 $0xFFFFFFFF;
	p2 =	slt.u32 s8, $0xFFFFF086  }
0x1c: {  	p1 =	slt.u32 s9, $0xF7A;
	s5 =	simm.s32 @!p2 $0x0  }
0x1d: {  	s5 =	simm.s32 @p1 $0x1;
	p0 =	seq.s32 s7, s2  }
0x1e: {  	s7 =	smul.u32 @!p0 $0xF7A, s2;
	p2 =	seq.s32 @!p0 s5, $0x0  }
0x1f: {  	s9 =	smul.u32 $0xF7A, s1;
	s8 =	simm.s32 @!p0 $0x1BF5;
	p2 =	por !p2, p0  }
0x20: {  	[sflag:s8] =	ssyncset.s32 @!p0 $0xFFFFF086;
	s6 =	sadd.s32 @!p0 s3, s7;
	s7 =	simm.s32 @!p0 $0x108  }
0x21: {  	s3 =	sadd.s32 s3, s9;
	s6 =	sadd.s32 @!p0 $0x88, s6;
	s7 =	simm.s32 @p2 $0x1082  }
0x22: {  	[simem:s7], [sflag:s8] =	dma.local @!p0 [hbm:s6], $0xF7A  }
0x23: {  	s9 =	sor.u32 $0xD0000000, s2;
	s6 =	simm.s32 $0x108;
	_ =	swait.ge @!p0 [sflag:s8], $0x0  }
0x24: {  	s3 =	sadd.s32 $0x88, s3;
	s6 =	simm.s32 @!p1 $0x1082;
	[sflag:s4] =	ssyncset.s32 $0xFFFFF086  }
0x25: {  	[simem:s6], [sflag:s4] =	dma.local [hbm:s3], $0xF7A  }
0x26: {  	[smem:$0x3F9F] =	sst s1;
	(tag) =	ssettag s2;
	_ =	strace s9  }
0x27: {  	s1 =	sld [smem:$0x3FAF]  }
0x28: {  	s2 =	sld [smem:$0x3FB0]  }
0x29: {  	s4 =	sld [smem:$0x3FB2]  }
0x2a: {  	p0 =	seq.s32 s5, $0x0;
	s5 =	sld [smem:$0x3FB3]  }
0x2b: {  	s6 =	sld [smem:$0x3FB4]  }
0x2c: {  	s7 =	sld [smem:$0x3FB5]  }
0x2d: {  	s3 =	simm.s32 $0x108;
	s8 =	sld [smem:$0x3FB6]  }
0x2e: {  	s3 =	simm.s32 @!p0 $0x1082;
	s9 =	sld [smem:$0x3FB7]  }
0x2f: {  	lr =	sadd.s32 s0, s3;
	s0 =	sld [smem:$0x3FAE]  }
0x30: {  	s3 =	sld [smem:$0x3FB1]  }
0x31: {  	[smem:$0x3FBA] =	sst s10  }
0x32: {  	s10 =	sld [smem:$0x3FB8];
	_ =	sdelay $0x3  }
0x33: {  	p0 =	seq.s32 s10, $0x1;
	s10 =	sld [smem:$0x3FBA];
	_ =	sdelay $0x3  }
0x34: {  	[smem:$0x3FBA] =	sst s10  }
0x35: {  	s10 =	sld [smem:$0x3FB9];
	_ =	sdelay $0x3  }
0x36: {  	p1 =	seq.s32 s10, $0x1;
	s10 =	sld [smem:$0x3FBA];
	_ =	sdelay $0x3  }
0x37: {  	[smem:$0x3FBA] =	sst s10  }
0x38: {  	s10 =	sld [smem:$0x3FBB]  }
0x39: {  	_ = 	snop;
	(pc) =	sbr.ind lr, $3  }
0x3a: {  	_ = 	snop  }
0x3b: {  	_ = 	snop  }
0x3c: {  	p2 =	seq.s32 s10, $0x1;
	s10 =	sld [smem:$0x3FBA]  }
0x3d: {  	_ =	shalt  }
0x3e: {  	_ =	shalt  }
0x3f: {  	_ =	shalt  }
0x40: {  	_ =	shalt  }
0x41: {  	_ =	shalt  }
0x42: {  	_ =	shalt  }
0x43: {  	_ =	shalt  }
0x44: {  	_ =	shalt  }
0x45: {  	_ =	shalt  }
0x46: {  	_ =	shalt  }
0x47: {  	_ =	shalt  }
0x48: {  	_ =	shalt  }
0x49: {  	_ =	shalt  }
0x4a: {  	_ =	shalt  }
0x4b: {  	_ =	shalt  }
0x4c: {  	_ =	shalt  }
0x4d: {  	_ =	shalt  }
0x4e: {  	_ =	shalt  }
0x4f: {  	_ =	shalt  }
0x50: {  	_ =	shalt  }
0x51: {  	_ =	shalt  }
0x52: {  	_ =	shalt  }
0x53: {  	_ =	shalt  }
0x54: {  	_ =	shalt  }
0x55: {  	_ =	shalt  }
0x56: {  	_ =	shalt  }
0x57: {  	_ =	shalt  }
0x58: {  	_ =	shalt  }
0x59: {  	_ =	shalt  }
0x5a: {  	_ =	shalt  }
0x5b: {  	_ =	shalt  }
0x5c: {  	_ =	shalt  }
0x5d: {  	_ =	shalt  }
0x5e: {  	_ =	shalt  }
0x5f: {  	_ =	shalt  }
0x60: {  	_ =	shalt  }
0x61: {  	_ =	shalt  }
0x62: {  	_ =	shalt  }
0x63: {  	_ =	shalt  }
0x64: {  	_ =	shalt  }
0x65: {  	_ =	shalt  }
0x66: {  	_ =	shalt  }
0x67: {  	_ =	shalt  }
0x68: {  	_ =	shalt  }
0x69: {  	_ =	shalt  }
0x6a: {  	_ =	shalt  }
0x6b: {  	_ =	shalt  }
0x6c: {  	_ =	shalt  }
0x6d: {  	_ =	shalt  }
0x6e: {  	_ =	shalt  }
0x6f: {  	_ =	shalt  }
0x70: {  	_ =	shalt  }
0x71: {  	_ =	shalt  }
0x72: {  	_ =	shalt  }
0x73: {  	_ =	shalt  }
0x74: {  	_ =	shalt  }
0x75: {  	_ =	shalt  }
0x76: {  	_ =	shalt  }
0x77: {  	_ =	shalt  }
0x78: {  	_ =	shalt  }
0x79: {  	_ =	shalt  }
0x7a: {  	_ =	shalt  }
0x7b: {  	_ =	shalt  }
0x7c: {  	_ =	shalt  }
0x7d: {  	_ =	shalt  }
0x7e: {  	_ =	shalt  }
0x7f: {  	_ =	shalt  }
0x80: {  	_ =	shalt  }
0x81: {  	_ =	shalt  }
0x82: {  	_ =	shalt  }
0x83: {  	_ =	shalt  }
0x84: {  	_ =	shalt  }
0x85: {  	_ =	shalt  }
0x86: {  	_ =	shalt  }
0x87: {  	_ =	shalt  }
.Lfunc_end0:
.L_simem_size_0:
called_computation_lowered:
.L_overlay_start_0:
0x88: {  	s2 =	sld [smem:$0x3FD9]  }
0x89: {  	s3 =	sld [smem:$0x3FFE];
	_ =	sdelay $0x1  }
0x8a: {  	s1 =	srdreg.scid  }
0x8b: {  	s0 =	sand.u32 $0x1, s1  }
0x8c: {  	s15 =	sshll.u32 s0, $0xA;
	s2 =	sadd.s32 s3, s2  }
0x8d: {  	s2 =	sadd.s32 s2, s15  }
0x8e: {  	[smem:$0x3FC6] =	sst s2  }
0x8f: {  	_ = 	snop  }
0x90: {  	s2 =	sld [smem:$0x3FD0];
	_ =	sdelay $0x2  }
0x91: {  	s4 =	simm.s32 $0xA;
	s5 =	simm.s32 $0x10;
	s16 =	sld [smem:$0x3FC8]  }
0x92: {  	[smem:s5], [sflag:s4] =	dma.local [hbm:s2], $0x1  }
0x93: {  	_ =	swait.eq [sflag:s4], $0x1  }
0x94: {  	[sflag:s4] =	ssyncset.done $0x0  }
0x95: {  	s17 =	sld [smem:$0x10];
	[sflag:s4] =	ssyncadd.s32 $0xFFFFFFFF  }
0x96: {  	s18 =	sld [smem:$0x11];
	(tm) =	ssettm $0x1  }
0x97: {  	s19 =	sld [smem:$0x3FFB];
	_ =	sdelay $0x3  }
0x98: {  	_ =	strace s19  }
0x99: {  	s5 =	sld [smem:$0x3FFC];
	_ =	sdelay $0x3  }
0x9a: {  	_ =	strace s5  }
0x9b: {  	s5 =	sld [smem:$0x3FFD];
	_ =	sdelay $0x3  }
0x9c: {  	_ =	strace s5  }
0x9d: {  	_ =	strace $0x8FFFFFFF  }
0x9e: {  	s20 =	sld [smem:$0x3FDB];
	_ =	sdelay $0x1  }
0x9f: {  	s6 =	simm.s32 $_scs_section_size  }
0xa0: {  	s7 =	simm.s32 $_size__tile_overlayer_lowered;
	s8 =	simm.s32 $_tile_overlayer_lowered  }
0xa1: {  	s23 =	simm.s32 $0x1BFF;
	s22 =	sshll.u32 s8, $0x1;
	s5 =	sadd.s32 s6, s20  }
0xa2: {  	s9 =	simm.s32 $0x0;
	s21 =	sshll.u32 s7, $0x1;
	s7 =	sadd.s32 s22, s5  }
0xa3: {  	[timem:s9], [sflag:s23] =	dma.local [hbm:s7], s21  }
0xa4: {  	_ =	swait.ge [sflag:s23], s21  }
0xa5: {  	s6 =	ssub.s32 $0x0, s21;
	[sflag:s23] =	ssyncset.done $0x0  }
0xa6: {  	[sflag:s23] =	ssyncadd.s32 s6;
	_ =	sdelay $0x1  }
0xa7: {  	s24 =	simm.s32 $0x1B8B  }
0xa8: {  	_ =	swait.ge [sflag:s24], $0x1  }
0xa9: {  	[sflag:s24] =	ssyncset.done $0x0  }
0xaa: {  	s25 =	simm.s32 $0x1B8E;
	[sflag:s24] =	ssyncadd.s32 $0xFFFFFFFF  }
0xab: {  	s26 =	simm.s32 $execute0_lowered;
	[smem:$0x3FD2] =	sst s25  }
0xac: {  	s6 =	sshll.u32 s26, $0x1;
	_ =	strace $0x80000046;
	[dreg:$0x1] =	wrdreg $0xFFFFFFFF  }
0xad: {  	s28 =	simm.s32 $_size_execute0_lowered;
	s5 =	sadd.s32 s5, s6;
	[dreg:$0x0] =	wrdreg $0x0  }
0xae: {  	s6 =	sshll.u32 s28, $0x1;
	[dreg:$0x2] =	wrdreg s5  }
0xaf: {  	[dreg:$0x3] =	wrdreg s6  }
0xb0: {  	[dreg:$0x4] =	wrdreg $0xC0  }
0xb1: {  	_ =	task [dreg:s9], $0x5FFFF  }
0xb2: {  	[dreg:$0x1] =	wrdreg $0xFFFFFFFF  }
0xb3: {  	[dreg:$0x0] =	wrdreg $0x60  }
0xb4: {  	[dreg:$0x2] =	wrdreg s18  }
0xb5: {  	[dreg:$0x3] =	wrdreg s16  }
0xb6: {  	[dreg:$0x4] =	wrdreg s17  }
0xb7: {  	[dreg:$0x5] =	wrdreg $0x9  }
0xb8: {  	_ =	task.clear_ibuf [dreg:s9], $0x6FFFF;
	_ =	strace $0x90000046  }
0xb9: {  	s29 =	simm.s32 $0x9;
	_ =	strace $0x80000048  }
0xba: {  	_ =	swait.ge [sflag:s29], $0x1  }
0xbb: {  	[sflag:s29] =	ssyncadd.s32 $0xFFFFFFFF  }
0xbc: {  	_ =	strace $0x90000048  }
0xbd: {  	_ =	sfence  }
0xbe: {  	s30 =	sld [smem:$0x0];
	_ =	sdelay $0x2  }
0xbf: {  	s31 =	sshll.u32 s1, $0xD;
	s1 =	sshrl.u32 s1, $0x2  }
0xc0: {  	s3 =	sand.u32 $0x4000, s31;
	s1 =	sadd.s32 s1, s30  }
0xc1: {  	s0 =	sor.u32 s3, s0;
	s1 =	sshll.u32 s1, $0x11  }
0xc2: {  	s0 =	sor.u32 s1, s0  }
0xc3: {  	s0 =	sadd.s32 $0x8F2B, s0  }
0xc4: {  	[sflag:s0] =	ssyncadd.remote.s32 $0x1  }
0xc5: {  	_ =	sfence.sel $0xFFFF  }
0xc6: {  	[dreg:$0x0] =	wrdreg $0xFFFFFFFF;
	(pc) =	sbr.abs _section_cstart, $3  }
0xc7: {  	[dreg:$0x1] =	wrdreg $0xFFFFFFFF  }
0xc8: {  	_ =	task.clear_ibuf [dreg:s9], $0x2FFFF;
	_ =	strace $0x9FFFFFFF  }
0xc9: {  	(tm) =	ssettm $0x7FFFFFFF  }
tec
execute0_lowered:
.L_overlay_start_1:
0x0: {  	(tag) =	ssettag $0x1  }
0x1: {  	s4 =	rddreg [dreg:$0x0]  }
0x2: {  	s2 =	rddreg [dreg:$0x1];
	s1 =	srdreg.scid  }
0x3: {  	s0 =	stileid.u32;
	s5 =	rddreg [dreg:$0x2];
	s3 =	simm.s32 $0x0  }
0x4: {  	s11 =	simm.s32 $0x1100;
	s12 =	simm.s32 $0x1900;
	s13 =	simm.s32 $0x2100  }
0x5: {  	s14 =	simm.s32 $0x2900;
	s15 =	simm.s32 $0x3100;
	s16 =	simm.s32 $0x3900  }
0x6: {  	s17 =	simm.s32 $0x4100;
	s18 =	simm.s32 $0x4900;
	s19 =	simm.s32 $0x5100  }
0x7: {  	s20 =	simm.s32 $0x5900;
	s21 =	simm.s32 $0x6100;
	s22 =	simm.s32 $0x6900  }
0x8: {  	s23 =	simm.s32 $0x7100;
	s24 =	simm.s32 $0x7900;
	s25 =	simm.s32 $0x8100  }
0x9: {  	s26 =	simm.s32 $0x8900;
	s6 =	sand.u32 $0x1, s1;
	s7 =	sshll.u32 s0, $0x1  }
0xa: {  	s28 =	simm.s32 $0x1;
	s29 =	simm.s32 $0x2;
	s7 =	sor.u32 s6, s7  }
0xb: {  	s1 =	rddreg [dreg:$0x3];
	s6 =	ssub.s32 $0x2, s6;
	s8 =	smul.u32 $0x9000, s7  }
0xc: {  	[smem:$0x7FF] =	sst s3;
	s9 =	smul.u32 $0x12, s7;
	s10 =	sshrl.u32 s6, $0x1  }
0xd: {  	_ =	strace $0x80000047;
	s7 =	smul.u32 $0x1200, s7;
	s10 =	ssub.s32 s6, s10  }
0xe: {  	v2 =	vlaneseq.u32;
	s8 =	sshrl.u32 s8, $0x3;
	s4 =	sadd.s32 s4, s9;
	s9 =	simm.s32 $0x100  }
0xf: {  	vm0 =	vmmov $0xffff;
	v1 =	vshrl.u32 v2, $0x3;
	s31 =	sadd.s32 s5, s8;
	s5 =	sadd.s32 s5, s7;
	s7 =	smax.u32 s10, $0x1  }
0x10: {  	v0 =	vand.u32 $0x7, v2;
	v2 =	vor.u32 $0x8, v2;
	v1 =	vmul.u32 $0x8, v1;
	s8 =	simm.s32 $0x3;
	s10 =	simm.s32 $0x900;
	s6 =	sadd.s32 $0x900, s31  }
.LBB2_1:
0x11: {  	[tilespmem:s3], [sflag:$0x3] =	stream.linear.gather [hbm4b:s4+s3], $0x90, $0x38;
	[tilespmem:$0x9100] =	vst v63  }
0x12: {  	_ =	swait.ge [sflag:s8], $0x90  }
0x13: {  	[sflag:s8] =	ssyncset.done $0x0  }
0x14: {  	[sflag:s8] =	ssyncadd.s32 $0xFFFFFF70  }
0x15: {  	v3 =	vld [tilespmem:$0x0];
	_ =	sdelay $0x4  }
0x16: {  	v4 =	vshll.u32 v3, $0x1  }
0x17: {  	v3 =	vand.u32 $0x7, v3;
	v4 =	vand.u32 $0xFFFFFFF0, v4  }
0x18: {  	v3 =	vor.u32 v3, v4  }
0x19: {  	v4 =	vperm.xlane v3, v0;
	_ =	sdelay $0x1  }
0x1a: {  	v3 =	vperm.xlane v3, v2;
	v4 =	vadd.s32 v1, v4;
	_ =	sdelay $0x1  }
0x1b: {  	v3 =	vadd.s32 v1, v3;
	_ =	sdelay $0x2  }
0x1c: {  	[tilespmem:s9], [sflag:$0x1] =	stream.indirect_vreg.gather [hbm4b:s2+s3], $0x80, v4, vm0, $0xb8;
	[tilespmem:$0x9100] =	vst v63  }
0x1d: {  	_ = 	snop  }
0x1e: {  	[tilespmem:s10], [sflag:$0x1] =	stream.indirect_vreg.gather [hbm4b:s2+s3], $0x80, v3, vm0, $0xb8;
	[tilespmem:$0x9100] =	vst v63  }
0x1f: {  	v3 =	vld [tilespmem:$0x10];
	_ =	sdelay $0x4  }
0x20: {  	v55 =	vshll.u32 v3, $0x1  }
0x21: {  	v3 =	vand.u32 $0x7, v3;
	v4 =	vand.u32 $0xFFFFFFF0, v55  }
0x22: {  	v3 =	vor.u32 v3, v4  }
0x23: {  	v4 =	vperm.xlane v3, v0;
	_ =	sdelay $0x1  }
0x24: {  	v3 =	vperm.xlane v3, v2;
	v4 =	vadd.s32 v1, v4;
	_ =	sdelay $0x1  }
0x25: {  	v3 =	vadd.s32 v1, v3;
	_ =	sdelay $0x2  }
0x26: {  	[tilespmem:s11], [sflag:$0x1] =	stream.indirect_vreg.gather [hbm4b:s2+s3], $0x80, v4, vm0, $0xb8;
	[tilespmem:$0x9100] =	vst v63  }
0x27: {  	_ = 	snop  }
0x28: {  	[tilespmem:s12], [sflag:$0x1] =	stream.indirect_vreg.gather [hbm4b:s2+s3], $0x80, v3, vm0, $0xb8;
	[tilespmem:$0x9100] =	vst v63  }
0x29: {  	v3 =	vld [tilespmem:$0x20];
	_ =	sdelay $0x4  }
0x2a: {  	v56 =	vshll.u32 v3, $0x1  }
0x2b: {  	v3 =	vand.u32 $0x7, v3;
	v4 =	vand.u32 $0xFFFFFFF0, v56  }
0x2c: {  	v3 =	vor.u32 v3, v4  }
0x2d: {  	v4 =	vperm.xlane v3, v0;
	_ =	sdelay $0x1  }
0x2e: {  	v3 =	vperm.xlane v3, v2;
	v4 =	vadd.s32 v1, v4;
	_ =	sdelay $0x1  }
0x2f: {  	v3 =	vadd.s32 v1, v3;
	_ =	sdelay $0x2  }
0x30: {  	[tilespmem:s13], [sflag:$0x1] =	stream.indirect_vreg.gather [hbm4b:s2+s3], $0x80, v4, vm0, $0xb8;
	[tilespmem:$0x9100] =	vst v63  }
0x31: {  	_ = 	snop  }
0x32: {  	[tilespmem:s14], [sflag:$0x1] =	stream.indirect_vreg.gather [hbm4b:s2+s3], $0x80, v3, vm0, $0xb8;
	[tilespmem:$0x9100] =	vst v63  }
0x33: {  	v3 =	vld [tilespmem:$0x30];
	_ =	sdelay $0x4  }
0x34: {  	v57 =	vshll.u32 v3, $0x1  }
0x35: {  	v3 =	vand.u32 $0x7, v3;
	v4 =	vand.u32 $0xFFFFFFF0, v57  }
0x36: {  	v3 =	vor.u32 v3, v4  }
0x37: {  	v4 =	vperm.xlane v3, v0;
	_ =	sdelay $0x1  }
0x38: {  	v3 =	vperm.xlane v3, v2;
	v4 =	vadd.s32 v1, v4;
	_ =	sdelay $0x1  }
0x39: {  	v3 =	vadd.s32 v1, v3;
	_ =	sdelay $0x2  }
0x3a: {  	[tilespmem:s15], [sflag:$0x1] =	stream.indirect_vreg.gather [hbm4b:s2+s3], $0x80, v4, vm0, $0xb8;
	[tilespmem:$0x9100] =	vst v63  }
0x3b: {  	_ = 	snop  }
0x3c: {  	[tilespmem:s16], [sflag:$0x1] =	stream.indirect_vreg.gather [hbm4b:s2+s3], $0x80, v3, vm0, $0xb8;
	[tilespmem:$0x9100] =	vst v63  }
0x3d: {  	v3 =	vld.msk [tilespmem:$0x40], $0xff;
	_ =	sdelay $0x4  }
0x3e: {  	v58 =	vshll.u32 v3, $0x1  }
0x3f: {  	v3 =	vand.u32 $0x7, v3;
	v4 =	vand.u32 $0xFFFFFFF0, v58  }
0x40: {  	v3 =	vor.u32 v3, v4  }
0x41: {  	v3 =	vperm.xlane v3, v0;
	_ =	sdelay $0x1  }
0x42: {  	v3 =	vadd.s32 v1, v3;
	_ =	sdelay $0x4  }
0x43: {  	[tilespmem:s17], [sflag:$0x1] =	stream.indirect_vreg.gather [hbm4b:s2+s3], $0x80, v3, vm0, $0xb8;
	[tilespmem:$0x9100] =	vst v63  }
0x44: {  	v3 =	vld [tilespmem:$0x48];
	_ =	sdelay $0x4  }
0x45: {  	v59 =	vshll.u32 v3, $0x1  }
0x46: {  	v3 =	vand.u32 $0x7, v3;
	v4 =	vand.u32 $0xFFFFFFF0, v59  }
0x47: {  	v3 =	vor.u32 v3, v4  }
0x48: {  	v4 =	vperm.xlane v3, v0;
	_ =	sdelay $0x1  }
0x49: {  	v3 =	vperm.xlane v3, v2;
	v4 =	vadd.s32 v1, v4;
	_ =	sdelay $0x1  }
0x4a: {  	v3 =	vadd.s32 v1, v3;
	_ =	sdelay $0x2  }
0x4b: {  	[tilespmem:s18], [sflag:$0x2] =	stream.indirect_vreg.gather [hbm4b:s2+s3], $0x80, v4, vm0, $0xb8;
	[tilespmem:$0x9100] =	vst v63  }
0x4c: {  	_ = 	snop  }
0x4d: {  	[tilespmem:s19], [sflag:$0x2] =	stream.indirect_vreg.gather [hbm4b:s2+s3], $0x80, v3, vm0, $0xb8;
	[tilespmem:$0x9100] =	vst v63  }
0x4e: {  	v3 =	vld [tilespmem:$0x58];
	_ =	sdelay $0x4  }
0x4f: {  	v60 =	vshll.u32 v3, $0x1  }
0x50: {  	v3 =	vand.u32 $0x7, v3;
	v4 =	vand.u32 $0xFFFFFFF0, v60  }
0x51: {  	v3 =	vor.u32 v3, v4  }
0x52: {  	v4 =	vperm.xlane v3, v0;
	_ =	sdelay $0x1  }
0x53: {  	v3 =	vperm.xlane v3, v2;
	v4 =	vadd.s32 v1, v4;
	_ =	sdelay $0x1  }
0x54: {  	v3 =	vadd.s32 v1, v3;
	_ =	sdelay $0x2  }
0x55: {  	[tilespmem:s20], [sflag:$0x2] =	stream.indirect_vreg.gather [hbm4b:s2+s3], $0x80, v4, vm0, $0xb8;
	[tilespmem:$0x9100] =	vst v63  }
0x56: {  	_ = 	snop  }
0x57: {  	[tilespmem:s21], [sflag:$0x2] =	stream.indirect_vreg.gather [hbm4b:s2+s3], $0x80, v3, vm0, $0xb8;
	[tilespmem:$0x9100] =	vst v63  }
0x58: {  	v3 =	vld [tilespmem:$0x68];
	_ =	sdelay $0x4  }
0x59: {  	v61 =	vshll.u32 v3, $0x1  }
0x5a: {  	v3 =	vand.u32 $0x7, v3;
	v4 =	vand.u32 $0xFFFFFFF0, v61  }
0x5b: {  	v3 =	vor.u32 v3, v4  }
0x5c: {  	v4 =	vperm.xlane v3, v0;
	_ =	sdelay $0x1  }
0x5d: {  	v3 =	vperm.xlane v3, v2;
	v4 =	vadd.s32 v1, v4;
	_ =	sdelay $0x1  }
0x5e: {  	v3 =	vadd.s32 v1, v3;
	_ =	sdelay $0x2  }
0x5f: {  	[tilespmem:s22], [sflag:$0x2] =	stream.indirect_vreg.gather [hbm4b:s2+s3], $0x80, v4, vm0, $0xb8;
	[tilespmem:$0x9100] =	vst v63  }
0x60: {  	_ = 	snop  }
0x61: {  	[tilespmem:s23], [sflag:$0x2] =	stream.indirect_vreg.gather [hbm4b:s2+s3], $0x80, v3, vm0, $0xb8;
	[tilespmem:$0x9100] =	vst v63  }
0x62: {  	v3 =	vld [tilespmem:$0x78];
	_ =	sdelay $0x4  }
0x63: {  	v62 =	vshll.u32 v3, $0x1  }
0x64: {  	v3 =	vand.u32 $0x7, v3;
	v4 =	vand.u32 $0xFFFFFFF0, v62  }
0x65: {  	v3 =	vor.u32 v3, v4  }
0x66: {  	v4 =	vperm.xlane v3, v0;
	_ =	sdelay $0x1  }
0x67: {  	v3 =	vperm.xlane v3, v2;
	v4 =	vadd.s32 v1, v4;
	_ =	sdelay $0x1  }
0x68: {  	v3 =	vadd.s32 v1, v3;
	_ =	sdelay $0x2  }
0x69: {  	[tilespmem:s24], [sflag:$0x2] =	stream.indirect_vreg.gather [hbm4b:s2+s3], $0x80, v4, vm0, $0xb8;
	[tilespmem:$0x9100] =	vst v63  }
0x6a: {  	_ = 	snop  }
0x6b: {  	[tilespmem:s25], [sflag:$0x2] =	stream.indirect_vreg.gather [hbm4b:s2+s3], $0x80, v3, vm0, $0xb8;
	[tilespmem:$0x9100] =	vst v63  }
0x6c: {  	v3 =	vld.msk [tilespmem:$0x88], $0xff;
	_ =	sdelay $0x4  }
0x6d: {  	v63 =	vshll.u32 v3, $0x1  }
0x6e: {  	v3 =	vand.u32 $0x7, v3;
	v4 =	vand.u32 $0xFFFFFFF0, v63  }
0x6f: {  	v3 =	vor.u32 v3, v4  }
0x70: {  	v3 =	vperm.xlane v3, v0;
	_ =	sdelay $0x1  }
0x71: {  	v3 =	vadd.s32 v1, v3;
	_ =	sdelay $0x4  }
0x72: {  	[tilespmem:s26], [sflag:$0x2] =	stream.indirect_vreg.gather [hbm4b:s2+s3], $0x80, v3, vm0, $0xb8;
	[tilespmem:$0x9100] =	vst v63  }
0x73: {  	_ =	swait.ge [sflag:s28], $0x4800  }
0x74: {  	[sflag:s28] =	ssyncset.done $0x0  }
0x75: {  	[sflag:s28] =	ssyncadd.s32 $0xFFFFB800  }
0x76: {  	[hbm4b:s5+s3] =	stream.linear.scatter [tilespmem:s9], [sflag:$0x3], $0x4800, $0x38;
	[tilespmem:$0x9100] =	vst v63  }
0x77: {  	_ =	swait.ge [sflag:s8], $0x4800  }
0x78: {  	[sflag:s8] =	ssyncset.done $0x0  }
0x79: {  	[sflag:s8] =	ssyncadd.s32 $0xFFFFB800  }
0x7a: {  	_ =	swait.ge [sflag:s29], $0x4800  }
0x7b: {  	p0 =	sne.s32 s7, $0x1;
	[sflag:s29] =	ssyncset.done $0x0  }
.Ltmp0:
0x7c: {  	[sflag:s29] =	ssyncadd.s32 $0xFFFFB800;
	(pc) =	sbr.rel @p0 .LBB2_1-.Ltmp0, $4  }
0x7d: {  	[hbm4b:s6+s3] =	stream.linear.scatter [tilespmem:s18], [sflag:$0x3], $0x4800, $0x38;
	[tilespmem:$0x9100] =	vst v63  }
0x7e: {  	_ =	swait.ge [sflag:s8], $0x4800  }
0x7f: {  	[sflag:s8] =	ssyncset.done $0x0  }
0x80: {  	s7 =	sadd.s32 $0xFFFFFFFF, s7;
	[sflag:s8] =	ssyncadd.s32 $0xFFFFB800  }
0x81: {  	_ =	sfence.sel $0x180000  }
0x82: {  	[bflag:$0x0] =	sbarrier.arrive $0xFFFF  }
0x83: {  	p0 =	sne.s32 s0, $0x0;
	_ =	strace $0x90000047  }
0x84: {  	s0 =	sadd.s32 @!p0 $0x100000, s1;
	[bflag:$0x2] =	sbarrier.arrive $0xFFFF  }
0x85: {  	[sflag:s0] =	ssyncadd.tile.s32 @!p0 $0x1;
	_ =	shalt  }
.Lfunc_end2:
_tile_overlayer_lowered:
.L_overlay_start_2:
0x86: {  	(tag) =	ssettag $0x2  }
0x87: {  	s0 =	rddreg [dreg:$0x0];
	s2 =	stileid.u32  }
0x88: {  	s1 =	rddreg [dreg:$0x1];
	p0 =	sne.s32 s2, $0x0  }
0x89: {  	s3 =	rddreg [dreg:$0x2];
	[bflag:$0x3] =	sbarrier.arrive $0xFFFF;
	s2 =	simm.s32 @!p0 $0x1C03  }
0x8a: {  	[timem:s3], [sflag:s2] =	dma.local @!p0 [hbm:s0], s1  }
0x8b: {  	s0 =	simm.s32 @!p0 $0x3  }
0x8c: {  	_ =	swait.ge @!p0 [sflag:s0], s1  }
0x8d: {  	s1 =	ssub.s32 @!p0 $0x0, s1;
	[sflag:s0] =	ssyncset.done @!p0 $0x0  }
0x8e: {  	[sflag:s0] =	ssyncadd.s32 @!p0 s1  }
0x8f: {  	[bflag:$0x3] =	sbarrier.arrive $0xFFFF  }
0x90: {  	_ =	shalt  }

</sc_bundles>
